<compile_context>
chip_gen: v7x
topology: tpu7x:2x2x1
jax: 0.10.2.dev20260603
libtpu: 0.0.44.dev20260713+nightly
codegen_flags: <defaults>
</compile_context>

<pallas_src>
import functools

import jax
import jax.numpy as jnp
from jax import lax
from jax.experimental import pallas as pl
from jax.experimental.pallas import tpu as pltpu
from jax.experimental.pallas import tpu_sc as plsc

N_NODES = 10000
N_EDGES = 320000
D_FEAT = 128
D_HALF = D_FEAT // 2

NUM_CORES = 2
NUM_TILES = 16

EDGES_PER_TILE = N_EDGES // NUM_TILES
CHUNK = 80
NUM_CHUNKS = -(-EDGES_PER_TILE // CHUNK)
NUM_CHUNKS_EVEN = NUM_CHUNKS + (NUM_CHUNKS % 2)
PAD_EDGES = NUM_CHUNKS_EVEN * CHUNK - EDGES_PER_TILE
DUMMY_ROW = N_NODES
ROWS_PER_TILE = 632
ACC_ROWS = NUM_TILES * ROWS_PER_TILE
LAST_ROWS = N_NODES - (NUM_TILES - 1) * ROWS_PER_TILE


def _gin_sc_call(nodex, srcx, dstp, n0s):
    mesh = plsc.VectorSubcoreMesh(core_axis_name="c", subcore_axis_name="s")

    @functools.partial(
        pl.kernel,
        out_type=jax.ShapeDtypeStruct((N_NODES, D_FEAT), jnp.float32),
        mesh=mesh,
        scratch_types=[
            pltpu.VMEM((NUM_CHUNKS_EVEN + 1, CHUNK), jnp.int32),
            pltpu.VMEM((NUM_CHUNKS_EVEN, CHUNK), jnp.int32),
            pltpu.VMEM((CHUNK, D_HALF), jnp.float32),
            pltpu.VMEM((CHUNK, D_HALF), jnp.float32),
            pltpu.VMEM_SHARED((ACC_ROWS, D_HALF), jnp.float32),
            pltpu.SemaphoreType.DMA,
            pltpu.SemaphoreType.DMA,
        ],
        compiler_params=pltpu.CompilerParams(use_tc_tiling_on_sc=False),
    )
    def k(nodex_hbm, srcx_hbm, dstp_hbm, n0s_hbm, out_hbm,
          src_v, dst_v, buf_a, buf_b, acc, sem_a, sem_b):
        c = lax.axis_index("c")
        s = lax.axis_index("s")
        w = c * NUM_TILES + s
        pltpu.sync_copy(srcx_hbm.at[w], src_v)
        pltpu.sync_copy(dstp_hbm.at[s], dst_v)
        row0 = s * ROWS_PER_TILE

        @pl.when(s < NUM_TILES - 1)
        def _():
            pltpu.sync_copy(
                n0s_hbm.at[pl.ds(row0, ROWS_PER_TILE), pl.ds(c * D_HALF, D_HALF)],
                acc.at[pl.ds(row0, ROWS_PER_TILE)])

        @pl.when(s == NUM_TILES - 1)
        def _():
            pltpu.sync_copy(
                n0s_hbm.at[pl.ds(row0, LAST_ROWS), pl.ds(c * D_HALF, D_HALF)],
                acc.at[pl.ds(row0, LAST_ROWS)])

        plsc.subcore_barrier()

        def start(chunk, buf, sem):
            pltpu.make_async_copy(nodex_hbm.at[src_v.at[chunk]], buf, sem).start()

        def wait(chunk, buf, sem):
            pltpu.make_async_copy(nodex_hbm.at[src_v.at[chunk]], buf, sem).wait()

        start(0, buf_a, sem_a)

        def body(i, carry):
            c0 = 2 * i
            start(c0 + 1, buf_b, sem_b)
            wait(c0, buf_a, sem_a)
            pltpu.sync_copy(buf_a, acc.at[dst_v.at[c0]], add=True)
            start(c0 + 2, buf_a, sem_a)
            wait(c0 + 1, buf_b, sem_b)
            pltpu.sync_copy(buf_b, acc.at[dst_v.at[c0 + 1]], add=True)
            return carry

        lax.fori_loop(0, NUM_CHUNKS_EVEN // 2, body, 0)
        wait(NUM_CHUNKS_EVEN, buf_a, sem_a)
        plsc.subcore_barrier()

        @pl.when(s < NUM_TILES - 1)
        def _():
            pltpu.sync_copy(
                acc.at[pl.ds(row0, ROWS_PER_TILE)],
                out_hbm.at[pl.ds(row0, ROWS_PER_TILE), pl.ds(c * D_HALF, D_HALF)])

        @pl.when(s == NUM_TILES - 1)
        def _():
            pltpu.sync_copy(
                acc.at[pl.ds(row0, LAST_ROWS)],
                out_hbm.at[pl.ds(row0, LAST_ROWS), pl.ds(c * D_HALF, D_HALF)])

    return k(nodex, srcx, dstp, n0s)


def kernel(node, edge_index, node_0, eps_k):
    nodex = node.reshape(NUM_CORES * N_NODES, D_HALF)
    src2 = (edge_index[1] * 2).reshape(NUM_TILES, EDGES_PER_TILE)
    src2 = jnp.pad(src2, ((0, 0), (0, PAD_EDGES + CHUNK)))
    src2 = src2.reshape(NUM_TILES, NUM_CHUNKS_EVEN + 1, CHUNK)
    srcx = jnp.stack([src2, src2 + 1]).reshape(
        NUM_CORES * NUM_TILES, NUM_CHUNKS_EVEN + 1, CHUNK)
    dst_t = edge_index[0].reshape(NUM_TILES, EDGES_PER_TILE)
    if PAD_EDGES:
        pad_rows = DUMMY_ROW + (jnp.arange(PAD_EDGES, dtype=jnp.int32) % 8)
        dst_t = jnp.concatenate(
            [dst_t, jnp.broadcast_to(pad_rows, (NUM_TILES, PAD_EDGES))], axis=1)
    dstp = dst_t.reshape(NUM_TILES, NUM_CHUNKS_EVEN, CHUNK)
    n0s = (jnp.float32(1.0) + eps_k) * node_0
    return _gin_sc_call(nodex, srcx, dstp, n0s)

# --- scband reference (transcript-rebuilt; emitter-appended) ---
"""Pipeline reference for scband-gin-d-18906446037512 (READ-ONLY COPY).

The authoritative reference and input builder live on the scoring server;
editing this copy changes nothing except your own understanding.
"""

import jax, jax.numpy as jnp
import numpy as np

N_NODES = 10000
N_EDGES = 320000
D_FEAT = 128


def setup_inputs(seed: int = 0) -> dict:
    key = jax.random.key(seed)
    k1, k2, k3 = jax.random.split(key, 3)
    node = jax.random.normal(k1, (N_NODES, D_FEAT), dtype=jnp.float32)
    node_0 = jax.random.normal(k2, (N_NODES, D_FEAT), dtype=jnp.float32)
    edge_index = jax.random.randint(k3, (2, N_EDGES), 0, N_NODES, dtype=jnp.int32)
    # Learned parameter: epsilon_k initialized to zeros (as in the Keras layer)
    eps_k = jnp.zeros((), dtype=jnp.float32)
    return {"node": node, "edge_index": edge_index, "node_0": node_0, "eps_k": eps_k}


def reference(node, edge_index, node_0, eps_k):
    # GatherNodesOutgoing: gather sending-node embeddings at edge_index[1]
    messages = jnp.take(node, edge_index[1], axis=0)
    # AggregateLocalEdges (pooling_method='sum'): segment-sum messages onto
    # receiving nodes given by edge_index[0]
    pooled = jax.ops.segment_sum(messages, edge_index[0], num_segments=node.shape[0])
    # (1 + eps_k) * node_0 + pooled
    out = (jnp.float32(1.0) + eps_k) * node_0 + pooled
    return out

if __name__ == "__main__":
    import jax
    _d = setup_inputs()
    print(jax.jit(kernel)(*tuple(_d.values())))

</pallas_src>

<mosaic_0001>
#map = affine_map<(d0, d1) -> (0, 0)>
#map1 = affine_map<(d0, d1) -> (0, 0, 0)>
module attributes {stable_mosaic.version = 14 : i64} {
  func.func @k(%arg0: i32, %arg1: i32, %arg2: memref<20000x64xf32, #tpu.memory_space<hbm>>, %arg3: memref<32x251x80xi32, #tpu.memory_space<hbm>>, %arg4: memref<16x250x80xi32, #tpu.memory_space<hbm>>, %arg5: memref<10000x128xf32, #tpu.memory_space<hbm>>, %arg6: memref<10000x128xf32, #tpu.memory_space<hbm>>, %arg7: memref<251x80xi32, #tpu.memory_space<vmem>>, %arg8: memref<250x80xi32, #tpu.memory_space<vmem>>, %arg9: memref<80x64xf32, #tpu.memory_space<vmem>>, %arg10: memref<80x64xf32, #tpu.memory_space<vmem>>, %arg11: memref<10112x64xf32, #tpu.memory_space<vmem_shared>>, %arg12: memref<!tpu.dma_semaphore, #tpu.memory_space<semaphore_mem>>, %arg13: memref<!tpu.dma_semaphore, #tpu.memory_space<semaphore_mem>>) attributes {dimension_semantics = [#tpu.dimension_semantics<core_parallel>, #tpu.dimension_semantics<subcore_parallel>], iteration_bounds = array<i64: 2, 16>, scalar_prefetch = 0 : i64, scratch_operands = 7 : i64, tpu.core_type = #tpu.core_type<sc_vector_subcore>, window_params = [{transform_indices = #map}, {transform_indices = #map1}, {transform_indices = #map1}, {transform_indices = #map}, {transform_indices = #map}]} {
    %mul3A = arith.constant 16 : i32
    %mul3A_0 = arith.muli %arg0, %mul3A : i32
    %add3A = arith.addi %mul3A_0, %arg1 : i32
    "tpu.region"() ({
      %run_scoped3A = tpu.sem_alloc : memref<!tpu.dma_semaphore, #tpu.memory_space<semaphore_mem>>
      %dma_start3A_37 = arith.constant 0 : i32
      %dma_start3A_38 = arith.constant 0 : i32
      %dma_start3A_39 = tpu.memref_slice %arg3[%add3A, %dma_start3A_37, %dma_start3A_38] : memref<32x251x80xi32, #tpu.memory_space<hbm>> -> memref<1x251x80xi32, #tpu.memory_space<hbm>>
      %dma_start3A_40 = tpu.memref_squeeze %dma_start3A_39 : memref<1x251x80xi32, #tpu.memory_space<hbm>> -> memref<251x80xi32, #tpu.memory_space<hbm>>
      %dma_start3A_41 = arith.constant 0 : i32
      %dma_start3A_42 = arith.constant 0 : i32
      %dma_start3A_43 = tpu.memref_slice %arg3[%add3A, %dma_start3A_41, %dma_start3A_42] : memref<32x251x80xi32, #tpu.memory_space<hbm>> -> memref<1x251x80xi32, #tpu.memory_space<hbm>>
      %dma_start3A_44 = tpu.memref_squeeze %dma_start3A_43 : memref<1x251x80xi32, #tpu.memory_space<hbm>> -> memref<251x80xi32, #tpu.memory_space<hbm>>
      tpu.enqueue_dma source(%dma_start3A_44 : memref<251x80xi32, #tpu.memory_space<hbm>>) target(%arg7 : memref<251x80xi32, #tpu.memory_space<vmem>>) target_semaphore(%run_scoped3A : memref<!tpu.dma_semaphore, #tpu.memory_space<semaphore_mem>>)
      %dma_wait3A_45 = arith.constant 0 : i32
      %dma_wait3A_46 = arith.constant 0 : i32
      %dma_wait3A_47 = tpu.memref_slice %arg3[%add3A, %dma_wait3A_45, %dma_wait3A_46] : memref<32x251x80xi32, #tpu.memory_space<hbm>> -> memref<1x251x80xi32, #tpu.memory_space<hbm>>
      %dma_wait3A_48 = tpu.memref_squeeze %dma_wait3A_47 : memref<1x251x80xi32, #tpu.memory_space<hbm>> -> memref<251x80xi32, #tpu.memory_space<hbm>>
      %dma_wait3A_49 = arith.constant 0 : i32
      %dma_wait3A_50 = arith.constant 0 : i32
      %dma_wait3A_51 = tpu.memref_slice %arg3[%add3A, %dma_wait3A_49, %dma_wait3A_50] : memref<32x251x80xi32, #tpu.memory_space<hbm>> -> memref<1x251x80xi32, #tpu.memory_space<hbm>>
      %dma_wait3A_52 = tpu.memref_squeeze %dma_wait3A_51 : memref<1x251x80xi32, #tpu.memory_space<hbm>> -> memref<251x80xi32, #tpu.memory_space<hbm>>
      tpu.wait_dma2 semaphore(%run_scoped3A : memref<!tpu.dma_semaphore, #tpu.memory_space<semaphore_mem>>) src(%dma_wait3A_52 : memref<251x80xi32, #tpu.memory_space<hbm>>) dst(%arg7 : memref<251x80xi32, #tpu.memory_space<vmem>>)
      tpu.yield
    }) : () -> ()
    "tpu.region"() ({
      %run_scoped3A = tpu.sem_alloc : memref<!tpu.dma_semaphore, #tpu.memory_space<semaphore_mem>>
      %dma_start3A_37 = arith.constant 0 : i32
      %dma_start3A_38 = arith.constant 0 : i32
      %dma_start3A_39 = tpu.memref_slice %arg4[%arg1, %dma_start3A_37, %dma_start3A_38] : memref<16x250x80xi32, #tpu.memory_space<hbm>> -> memref<1x250x80xi32, #tpu.memory_space<hbm>>
      %dma_start3A_40 = tpu.memref_squeeze %dma_start3A_39 : memref<1x250x80xi32, #tpu.memory_space<hbm>> -> memref<250x80xi32, #tpu.memory_space<hbm>>
      %dma_start3A_41 = arith.constant 0 : i32
      %dma_start3A_42 = arith.constant 0 : i32
      %dma_start3A_43 = tpu.memref_slice %arg4[%arg1, %dma_start3A_41, %dma_start3A_42] : memref<16x250x80xi32, #tpu.memory_space<hbm>> -> memref<1x250x80xi32, #tpu.memory_space<hbm>>
      %dma_start3A_44 = tpu.memref_squeeze %dma_start3A_43 : memref<1x250x80xi32, #tpu.memory_space<hbm>> -> memref<250x80xi32, #tpu.memory_space<hbm>>
      tpu.enqueue_dma source(%dma_start3A_44 : memref<250x80xi32, #tpu.memory_space<hbm>>) target(%arg8 : memref<250x80xi32, #tpu.memory_space<vmem>>) target_semaphore(%run_scoped3A : memref<!tpu.dma_semaphore, #tpu.memory_space<semaphore_mem>>)
      %dma_wait3A_45 = arith.constant 0 : i32
      %dma_wait3A_46 = arith.constant 0 : i32
      %dma_wait3A_47 = tpu.memref_slice %arg4[%arg1, %dma_wait3A_45, %dma_wait3A_46] : memref<16x250x80xi32, #tpu.memory_space<hbm>> -> memref<1x250x80xi32, #tpu.memory_space<hbm>>
      %dma_wait3A_48 = tpu.memref_squeeze %dma_wait3A_47 : memref<1x250x80xi32, #tpu.memory_space<hbm>> -> memref<250x80xi32, #tpu.memory_space<hbm>>
      %dma_wait3A_49 = arith.constant 0 : i32
      %dma_wait3A_50 = arith.constant 0 : i32
      %dma_wait3A_51 = tpu.memref_slice %arg4[%arg1, %dma_wait3A_49, %dma_wait3A_50] : memref<16x250x80xi32, #tpu.memory_space<hbm>> -> memref<1x250x80xi32, #tpu.memory_space<hbm>>
      %dma_wait3A_52 = tpu.memref_squeeze %dma_wait3A_51 : memref<1x250x80xi32, #tpu.memory_space<hbm>> -> memref<250x80xi32, #tpu.memory_space<hbm>>
      tpu.wait_dma2 semaphore(%run_scoped3A : memref<!tpu.dma_semaphore, #tpu.memory_space<semaphore_mem>>) src(%dma_wait3A_52 : memref<250x80xi32, #tpu.memory_space<hbm>>) dst(%arg8 : memref<250x80xi32, #tpu.memory_space<vmem>>)
      tpu.yield
    }) : () -> ()
    %mul3A_1 = arith.constant 632 : i32
    %mul3A_2 = arith.muli %arg1, %mul3A_1 : i32
    %lt3A = arith.constant 15 : i32
    %lt3A_3 = arith.cmpi slt, %arg1, %lt3A : i32
    %convert_element_type3A = arith.extui %lt3A_3 : i1 to i32
    %cond3A = arith.constant 0 : i32
    %cond3A_4 = arith.cmpi ne, %convert_element_type3A, %cond3A : i32
    scf.if %cond3A_4 {
      %mul3A_37 = arith.constant 64 : i32
      %mul3A_38 = arith.muli %arg0, %mul3A_37 : i32
      "tpu.region"() ({
        %run_scoped3A = tpu.sem_alloc : memref<!tpu.dma_semaphore, #tpu.memory_space<semaphore_mem>>
        %dma_start3A_39 = arith.constant 0 : i32
        %dma_start3A_40 = tpu.memref_slice %arg11[%mul3A_2, %dma_start3A_39] : memref<10112x64xf32, #tpu.memory_space<vmem_shared>> -> memref<632x64xf32, #tpu.memory_space<vmem_shared>>
        %dma_start3A_41 = tpu.memref_slice %arg5[%mul3A_2, %mul3A_38] : memref<10000x128xf32, #tpu.memory_space<hbm>> -> memref<632x64xf32, #tpu.memory_space<hbm>>
        tpu.enqueue_dma source(%dma_start3A_41 : memref<632x64xf32, #tpu.memory_space<hbm>>) target(%dma_start3A_40 : memref<632x64xf32, #tpu.memory_space<vmem_shared>>) target_semaphore(%run_scoped3A : memref<!tpu.dma_semaphore, #tpu.memory_space<semaphore_mem>>)
        %dma_wait3A_42 = arith.constant 0 : i32
        %dma_wait3A_43 = tpu.memref_slice %arg11[%mul3A_2, %dma_wait3A_42] : memref<10112x64xf32, #tpu.memory_space<vmem_shared>> -> memref<632x64xf32, #tpu.memory_space<vmem_shared>>
        %dma_wait3A_44 = tpu.memref_slice %arg5[%mul3A_2, %mul3A_38] : memref<10000x128xf32, #tpu.memory_space<hbm>> -> memref<632x64xf32, #tpu.memory_space<hbm>>
        tpu.wait_dma2 semaphore(%run_scoped3A : memref<!tpu.dma_semaphore, #tpu.memory_space<semaphore_mem>>) src(%dma_wait3A_44 : memref<632x64xf32, #tpu.memory_space<hbm>>) dst(%dma_wait3A_43 : memref<632x64xf32, #tpu.memory_space<vmem_shared>>)
        tpu.yield
      }) : () -> ()
    } else {
    }
    %eq3A = arith.constant 15 : i32
    %eq3A_5 = arith.cmpi eq, %arg1, %eq3A : i32
    %convert_element_type3A_6 = arith.extui %eq3A_5 : i1 to i32
    %cond3A_7 = arith.constant 0 : i32
    %cond3A_8 = arith.cmpi ne, %convert_element_type3A_6, %cond3A_7 : i32
    scf.if %cond3A_8 {
      %mul3A_37 = arith.constant 64 : i32
      %mul3A_38 = arith.muli %arg0, %mul3A_37 : i32
      "tpu.region"() ({
        %run_scoped3A = tpu.sem_alloc : memref<!tpu.dma_semaphore, #tpu.memory_space<semaphore_mem>>
        %dma_start3A_39 = arith.constant 0 : i32
        %dma_start3A_40 = tpu.memref_slice %arg11[%mul3A_2, %dma_start3A_39] : memref<10112x64xf32, #tpu.memory_space<vmem_shared>> -> memref<520x64xf32, #tpu.memory_space<vmem_shared>>
        %dma_start3A_41 = tpu.memref_slice %arg5[%mul3A_2, %mul3A_38] : memref<10000x128xf32, #tpu.memory_space<hbm>> -> memref<520x64xf32, #tpu.memory_space<hbm>>
        tpu.enqueue_dma source(%dma_start3A_41 : memref<520x64xf32, #tpu.memory_space<hbm>>) target(%dma_start3A_40 : memref<520x64xf32, #tpu.memory_space<vmem_shared>>) target_semaphore(%run_scoped3A : memref<!tpu.dma_semaphore, #tpu.memory_space<semaphore_mem>>)
        %dma_wait3A_42 = arith.constant 0 : i32
        %dma_wait3A_43 = tpu.memref_slice %arg11[%mul3A_2, %dma_wait3A_42] : memref<10112x64xf32, #tpu.memory_space<vmem_shared>> -> memref<520x64xf32, #tpu.memory_space<vmem_shared>>
        %dma_wait3A_44 = tpu.memref_slice %arg5[%mul3A_2, %mul3A_38] : memref<10000x128xf32, #tpu.memory_space<hbm>> -> memref<520x64xf32, #tpu.memory_space<hbm>>
        tpu.wait_dma2 semaphore(%run_scoped3A : memref<!tpu.dma_semaphore, #tpu.memory_space<semaphore_mem>>) src(%dma_wait3A_44 : memref<520x64xf32, #tpu.memory_space<hbm>>) dst(%dma_wait3A_43 : memref<520x64xf32, #tpu.memory_space<vmem_shared>>)
        tpu.yield
      }) : () -> ()
    } else {
    }
    %barrier3A = arith.constant 0 : index
    tpu.barrier barrier_id(%barrier3A)
    %dma_start3A = arith.constant 0 : i32
    %dma_start3A_9 = arith.constant 0 : i32
    %dma_start3A_10 = tpu.memref_slice %arg7[%dma_start3A, %dma_start3A_9] : memref<251x80xi32, #tpu.memory_space<vmem>> -> memref<1x80xi32, #tpu.memory_space<vmem>>
    %dma_start3A_11 = tpu.memref_squeeze %dma_start3A_10 : memref<1x80xi32, #tpu.memory_space<vmem>> -> memref<80xi32, #tpu.memory_space<vmem>>
    %dma_start3A_12 = arith.constant 0 : i32
    %dma_start3A_13 = arith.constant 0 : i32
    %dma_start3A_14 = tpu.memref_slice %arg2[%dma_start3A_12, %dma_start3A_13] : memref<20000x64xf32, #tpu.memory_space<hbm>> -> memref<20000x64xf32, #tpu.memory_space<hbm>>
    tpu.enqueue_indirect_dma source(%dma_start3A_14 : memref<20000x64xf32, #tpu.memory_space<hbm>>) target(%arg9 : memref<80x64xf32, #tpu.memory_space<vmem>>) offsets(%dma_start3A_11 : memref<80xi32, #tpu.memory_space<vmem>>) semaphore(%arg12 : memref<!tpu.dma_semaphore, #tpu.memory_space<semaphore_mem>>)
    %scan3A = arith.constant 0 : i32
    %scan3A_15 = arith.constant 0 : i32
    %scan3A_16 = arith.constant 125 : i32
    %scan3A_17 = arith.addi %scan3A_15, %scan3A_16 : i32
    %scan3A_18 = arith.constant 1 : i32
    scf.for %scan3A_37 = %scan3A_15 to %scan3A_17 step %scan3A_18  : i32 {
      %mul3A_38 = arith.constant 2 : i32
      %mul3A_39 = arith.muli %mul3A_38, %scan3A_37 : i32
      %add3A_40 = arith.constant 1 : i32
      %add3A_41 = arith.addi %mul3A_39, %add3A_40 : i32
      %dma_start3A_42 = arith.constant 0 : i32
      %dma_start3A_43 = tpu.memref_slice %arg7[%add3A_41, %dma_start3A_42] : memref<251x80xi32, #tpu.memory_space<vmem>> -> memref<1x80xi32, #tpu.memory_space<vmem>>
      %dma_start3A_44 = tpu.memref_squeeze %dma_start3A_43 : memref<1x80xi32, #tpu.memory_space<vmem>> -> memref<80xi32, #tpu.memory_space<vmem>>
      %dma_start3A_45 = arith.constant 0 : i32
      %dma_start3A_46 = arith.constant 0 : i32
      %dma_start3A_47 = tpu.memref_slice %arg2[%dma_start3A_45, %dma_start3A_46] : memref<20000x64xf32, #tpu.memory_space<hbm>> -> memref<20000x64xf32, #tpu.memory_space<hbm>>
      tpu.enqueue_indirect_dma source(%dma_start3A_47 : memref<20000x64xf32, #tpu.memory_space<hbm>>) target(%arg10 : memref<80x64xf32, #tpu.memory_space<vmem>>) offsets(%dma_start3A_44 : memref<80xi32, #tpu.memory_space<vmem>>) semaphore(%arg13 : memref<!tpu.dma_semaphore, #tpu.memory_space<semaphore_mem>>)
      %dma_wait3A_48 = arith.constant 0 : i32
      %dma_wait3A_49 = tpu.memref_slice %arg7[%mul3A_39, %dma_wait3A_48] : memref<251x80xi32, #tpu.memory_space<vmem>> -> memref<1x80xi32, #tpu.memory_space<vmem>>
      %dma_wait3A_50 = tpu.memref_squeeze %dma_wait3A_49 : memref<1x80xi32, #tpu.memory_space<vmem>> -> memref<80xi32, #tpu.memory_space<vmem>>
      %dma_wait3A_51 = arith.constant 0 : i32
      %dma_wait3A_52 = arith.constant 0 : i32
      %dma_wait3A_53 = tpu.memref_slice %arg2[%dma_wait3A_51, %dma_wait3A_52] : memref<20000x64xf32, #tpu.memory_space<hbm>> -> memref<20000x64xf32, #tpu.memory_space<hbm>>
      tpu.wait_indirect_dma semaphore(%arg12 : memref<!tpu.dma_semaphore, #tpu.memory_space<semaphore_mem>>) src(%dma_wait3A_53 : memref<20000x64xf32, #tpu.memory_space<hbm>>) dst(%arg9 : memref<80x64xf32, #tpu.memory_space<vmem>>)
      "tpu.region"() ({
        %run_scoped3A = tpu.sem_alloc : memref<!tpu.dma_semaphore, #tpu.memory_space<semaphore_mem>>
        %dma_start3A_72 = arith.constant 0 : i32
        %dma_start3A_73 = tpu.memref_slice %arg8[%mul3A_39, %dma_start3A_72] : memref<250x80xi32, #tpu.memory_space<vmem>> -> memref<1x80xi32, #tpu.memory_space<vmem>>
        %dma_start3A_74 = tpu.memref_squeeze %dma_start3A_73 : memref<1x80xi32, #tpu.memory_space<vmem>> -> memref<80xi32, #tpu.memory_space<vmem>>
        %dma_start3A_75 = arith.constant 0 : i32
        %dma_start3A_76 = arith.constant 0 : i32
        %dma_start3A_77 = tpu.memref_slice %arg11[%dma_start3A_75, %dma_start3A_76] : memref<10112x64xf32, #tpu.memory_space<vmem_shared>> -> memref<10112x64xf32, #tpu.memory_space<vmem_shared>>
        tpu.enqueue_indirect_dma source(%arg9 : memref<80x64xf32, #tpu.memory_space<vmem>>) target(%dma_start3A_77 : memref<10112x64xf32, #tpu.memory_space<vmem_shared>>) offsets(%dma_start3A_74 : memref<80xi32, #tpu.memory_space<vmem>>) semaphore(%run_scoped3A : memref<!tpu.dma_semaphore, #tpu.memory_space<semaphore_mem>>) {add = true}
        %dma_wait3A_78 = arith.constant 0 : i32
        %dma_wait3A_79 = tpu.memref_slice %arg8[%mul3A_39, %dma_wait3A_78] : memref<250x80xi32, #tpu.memory_space<vmem>> -> memref<1x80xi32, #tpu.memory_space<vmem>>
        %dma_wait3A_80 = tpu.memref_squeeze %dma_wait3A_79 : memref<1x80xi32, #tpu.memory_space<vmem>> -> memref<80xi32, #tpu.memory_space<vmem>>
        %dma_wait3A_81 = arith.constant 0 : i32
        %dma_wait3A_82 = arith.constant 0 : i32
        %dma_wait3A_83 = tpu.memref_slice %arg11[%dma_wait3A_81, %dma_wait3A_82] : memref<10112x64xf32, #tpu.memory_space<vmem_shared>> -> memref<10112x64xf32, #tpu.memory_space<vmem_shared>>
        tpu.wait_indirect_dma semaphore(%run_scoped3A : memref<!tpu.dma_semaphore, #tpu.memory_space<semaphore_mem>>) src(%arg9 : memref<80x64xf32, #tpu.memory_space<vmem>>) dst(%dma_wait3A_83 : memref<10112x64xf32, #tpu.memory_space<vmem_shared>>)
        tpu.yield
      }) : () -> ()
      %add3A_54 = arith.constant 2 : i32
      %add3A_55 = arith.addi %mul3A_39, %add3A_54 : i32
      %dma_start3A_56 = arith.constant 0 : i32
      %dma_start3A_57 = tpu.memref_slice %arg7[%add3A_55, %dma_start3A_56] : memref<251x80xi32, #tpu.memory_space<vmem>> -> memref<1x80xi32, #tpu.memory_space<vmem>>
      %dma_start3A_58 = tpu.memref_squeeze %dma_start3A_57 : memref<1x80xi32, #tpu.memory_space<vmem>> -> memref<80xi32, #tpu.memory_space<vmem>>
      %dma_start3A_59 = arith.constant 0 : i32
      %dma_start3A_60 = arith.constant 0 : i32
      %dma_start3A_61 = tpu.memref_slice %arg2[%dma_start3A_59, %dma_start3A_60] : memref<20000x64xf32, #tpu.memory_space<hbm>> -> memref<20000x64xf32, #tpu.memory_space<hbm>>
      tpu.enqueue_indirect_dma source(%dma_start3A_61 : memref<20000x64xf32, #tpu.memory_space<hbm>>) target(%arg9 : memref<80x64xf32, #tpu.memory_space<vmem>>) offsets(%dma_start3A_58 : memref<80xi32, #tpu.memory_space<vmem>>) semaphore(%arg12 : memref<!tpu.dma_semaphore, #tpu.memory_space<semaphore_mem>>)
      %add3A_62 = arith.constant 1 : i32
      %add3A_63 = arith.addi %mul3A_39, %add3A_62 : i32
      %dma_wait3A_64 = arith.constant 0 : i32
      %dma_wait3A_65 = tpu.memref_slice %arg7[%add3A_63, %dma_wait3A_64] : memref<251x80xi32, #tpu.memory_space<vmem>> -> memref<1x80xi32, #tpu.memory_space<vmem>>
      %dma_wait3A_66 = tpu.memref_squeeze %dma_wait3A_65 : memref<1x80xi32, #tpu.memory_space<vmem>> -> memref<80xi32, #tpu.memory_space<vmem>>
      %dma_wait3A_67 = arith.constant 0 : i32
      %dma_wait3A_68 = arith.constant 0 : i32
      %dma_wait3A_69 = tpu.memref_slice %arg2[%dma_wait3A_67, %dma_wait3A_68] : memref<20000x64xf32, #tpu.memory_space<hbm>> -> memref<20000x64xf32, #tpu.memory_space<hbm>>
      tpu.wait_indirect_dma semaphore(%arg13 : memref<!tpu.dma_semaphore, #tpu.memory_space<semaphore_mem>>) src(%dma_wait3A_69 : memref<20000x64xf32, #tpu.memory_space<hbm>>) dst(%arg10 : memref<80x64xf32, #tpu.memory_space<vmem>>)
      %add3A_70 = arith.constant 1 : i32
      %add3A_71 = arith.addi %mul3A_39, %add3A_70 : i32
      "tpu.region"() ({
        %run_scoped3A = tpu.sem_alloc : memref<!tpu.dma_semaphore, #tpu.memory_space<semaphore_mem>>
        %dma_start3A_72 = arith.constant 0 : i32
        %dma_start3A_73 = tpu.memref_slice %arg8[%add3A_71, %dma_start3A_72] : memref<250x80xi32, #tpu.memory_space<vmem>> -> memref<1x80xi32, #tpu.memory_space<vmem>>
        %dma_start3A_74 = tpu.memref_squeeze %dma_start3A_73 : memref<1x80xi32, #tpu.memory_space<vmem>> -> memref<80xi32, #tpu.memory_space<vmem>>
        %dma_start3A_75 = arith.constant 0 : i32
        %dma_start3A_76 = arith.constant 0 : i32
        %dma_start3A_77 = tpu.memref_slice %arg11[%dma_start3A_75, %dma_start3A_76] : memref<10112x64xf32, #tpu.memory_space<vmem_shared>> -> memref<10112x64xf32, #tpu.memory_space<vmem_shared>>
        tpu.enqueue_indirect_dma source(%arg10 : memref<80x64xf32, #tpu.memory_space<vmem>>) target(%dma_start3A_77 : memref<10112x64xf32, #tpu.memory_space<vmem_shared>>) offsets(%dma_start3A_74 : memref<80xi32, #tpu.memory_space<vmem>>) semaphore(%run_scoped3A : memref<!tpu.dma_semaphore, #tpu.memory_space<semaphore_mem>>) {add = true}
        %dma_wait3A_78 = arith.constant 0 : i32
        %dma_wait3A_79 = tpu.memref_slice %arg8[%add3A_71, %dma_wait3A_78] : memref<250x80xi32, #tpu.memory_space<vmem>> -> memref<1x80xi32, #tpu.memory_space<vmem>>
        %dma_wait3A_80 = tpu.memref_squeeze %dma_wait3A_79 : memref<1x80xi32, #tpu.memory_space<vmem>> -> memref<80xi32, #tpu.memory_space<vmem>>
        %dma_wait3A_81 = arith.constant 0 : i32
        %dma_wait3A_82 = arith.constant 0 : i32
        %dma_wait3A_83 = tpu.memref_slice %arg11[%dma_wait3A_81, %dma_wait3A_82] : memref<10112x64xf32, #tpu.memory_space<vmem_shared>> -> memref<10112x64xf32, #tpu.memory_space<vmem_shared>>
        tpu.wait_indirect_dma semaphore(%run_scoped3A : memref<!tpu.dma_semaphore, #tpu.memory_space<semaphore_mem>>) src(%arg10 : memref<80x64xf32, #tpu.memory_space<vmem>>) dst(%dma_wait3A_83 : memref<10112x64xf32, #tpu.memory_space<vmem_shared>>)
        tpu.yield
      }) : () -> ()
    }
    %scan3A_19 = arith.constant 125 : i32
    %dma_wait3A = arith.constant 250 : i32
    %dma_wait3A_20 = arith.constant 0 : i32
    %dma_wait3A_21 = tpu.memref_slice %arg7[%dma_wait3A, %dma_wait3A_20] : memref<251x80xi32, #tpu.memory_space<vmem>> -> memref<1x80xi32, #tpu.memory_space<vmem>>
    %dma_wait3A_22 = tpu.memref_squeeze %dma_wait3A_21 : memref<1x80xi32, #tpu.memory_space<vmem>> -> memref<80xi32, #tpu.memory_space<vmem>>
    %dma_wait3A_23 = arith.constant 0 : i32
    %dma_wait3A_24 = arith.constant 0 : i32
    %dma_wait3A_25 = tpu.memref_slice %arg2[%dma_wait3A_23, %dma_wait3A_24] : memref<20000x64xf32, #tpu.memory_space<hbm>> -> memref<20000x64xf32, #tpu.memory_space<hbm>>
    tpu.wait_indirect_dma semaphore(%arg12 : memref<!tpu.dma_semaphore, #tpu.memory_space<semaphore_mem>>) src(%dma_wait3A_25 : memref<20000x64xf32, #tpu.memory_space<hbm>>) dst(%arg9 : memref<80x64xf32, #tpu.memory_space<vmem>>)
    %barrier3A_26 = arith.constant 0 : index
    tpu.barrier barrier_id(%barrier3A_26)
    %lt3A_27 = arith.constant 15 : i32
    %lt3A_28 = arith.cmpi slt, %arg1, %lt3A_27 : i32
    %convert_element_type3A_29 = arith.extui %lt3A_28 : i1 to i32
    %cond3A_30 = arith.constant 0 : i32
    %cond3A_31 = arith.cmpi ne, %convert_element_type3A_29, %cond3A_30 : i32
    scf.if %cond3A_31 {
      %mul3A_37 = arith.constant 64 : i32
      %mul3A_38 = arith.muli %arg0, %mul3A_37 : i32
      "tpu.region"() ({
        %run_scoped3A = tpu.sem_alloc : memref<!tpu.dma_semaphore, #tpu.memory_space<semaphore_mem>>
        %dma_start3A_39 = tpu.memref_slice %arg6[%mul3A_2, %mul3A_38] : memref<10000x128xf32, #tpu.memory_space<hbm>> -> memref<632x64xf32, #tpu.memory_space<hbm>>
        %dma_start3A_40 = arith.constant 0 : i32
        %dma_start3A_41 = tpu.memref_slice %arg11[%mul3A_2, %dma_start3A_40] : memref<10112x64xf32, #tpu.memory_space<vmem_shared>> -> memref<632x64xf32, #tpu.memory_space<vmem_shared>>
        tpu.enqueue_dma source(%dma_start3A_41 : memref<632x64xf32, #tpu.memory_space<vmem_shared>>) target(%dma_start3A_39 : memref<632x64xf32, #tpu.memory_space<hbm>>) target_semaphore(%run_scoped3A : memref<!tpu.dma_semaphore, #tpu.memory_space<semaphore_mem>>)
        %dma_wait3A_42 = tpu.memref_slice %arg6[%mul3A_2, %mul3A_38] : memref<10000x128xf32, #tpu.memory_space<hbm>> -> memref<632x64xf32, #tpu.memory_space<hbm>>
        %dma_wait3A_43 = arith.constant 0 : i32
        %dma_wait3A_44 = tpu.memref_slice %arg11[%mul3A_2, %dma_wait3A_43] : memref<10112x64xf32, #tpu.memory_space<vmem_shared>> -> memref<632x64xf32, #tpu.memory_space<vmem_shared>>
        tpu.wait_dma2 semaphore(%run_scoped3A : memref<!tpu.dma_semaphore, #tpu.memory_space<semaphore_mem>>) src(%dma_wait3A_44 : memref<632x64xf32, #tpu.memory_space<vmem_shared>>) dst(%dma_wait3A_42 : memref<632x64xf32, #tpu.memory_space<hbm>>)
        tpu.yield
      }) : () -> ()
    } else {
    }
    %eq3A_32 = arith.constant 15 : i32
    %eq3A_33 = arith.cmpi eq, %arg1, %eq3A_32 : i32
    %convert_element_type3A_34 = arith.extui %eq3A_33 : i1 to i32
    %cond3A_35 = arith.constant 0 : i32
    %cond3A_36 = arith.cmpi ne, %convert_element_type3A_34, %cond3A_35 : i32
    scf.if %cond3A_36 {
      %mul3A_37 = arith.constant 64 : i32
      %mul3A_38 = arith.muli %arg0, %mul3A_37 : i32
      "tpu.region"() ({
        %run_scoped3A = tpu.sem_alloc : memref<!tpu.dma_semaphore, #tpu.memory_space<semaphore_mem>>
        %dma_start3A_39 = tpu.memref_slice %arg6[%mul3A_2, %mul3A_38] : memref<10000x128xf32, #tpu.memory_space<hbm>> -> memref<520x64xf32, #tpu.memory_space<hbm>>
        %dma_start3A_40 = arith.constant 0 : i32
        %dma_start3A_41 = tpu.memref_slice %arg11[%mul3A_2, %dma_start3A_40] : memref<10112x64xf32, #tpu.memory_space<vmem_shared>> -> memref<520x64xf32, #tpu.memory_space<vmem_shared>>
        tpu.enqueue_dma source(%dma_start3A_41 : memref<520x64xf32, #tpu.memory_space<vmem_shared>>) target(%dma_start3A_39 : memref<520x64xf32, #tpu.memory_space<hbm>>) target_semaphore(%run_scoped3A : memref<!tpu.dma_semaphore, #tpu.memory_space<semaphore_mem>>)
        %dma_wait3A_42 = tpu.memref_slice %arg6[%mul3A_2, %mul3A_38] : memref<10000x128xf32, #tpu.memory_space<hbm>> -> memref<520x64xf32, #tpu.memory_space<hbm>>
        %dma_wait3A_43 = arith.constant 0 : i32
        %dma_wait3A_44 = tpu.memref_slice %arg11[%mul3A_2, %dma_wait3A_43] : memref<10112x64xf32, #tpu.memory_space<vmem_shared>> -> memref<520x64xf32, #tpu.memory_space<vmem_shared>>
        tpu.wait_dma2 semaphore(%run_scoped3A : memref<!tpu.dma_semaphore, #tpu.memory_space<semaphore_mem>>) src(%dma_wait3A_44 : memref<520x64xf32, #tpu.memory_space<vmem_shared>>) dst(%dma_wait3A_42 : memref<520x64xf32, #tpu.memory_space<hbm>>)
        tpu.yield
      }) : () -> ()
    } else {
    }
    return
  }
}

</mosaic_0001>

<sc_bundles>
// kernel: kernel.3.cloned.1.call-start
scs
__scs_entry_jumppad:
0x0: {  	(pc) =	sbr.rel $0x88, $3  }
0x1: {  	(tag) =	ssettag $0x0;
	lr =	simm.s32 $0x1  }
0x2: {  	[smem:$0x3F9D] =	sst lr;
	_ =	strace $0xD0000000  }
0x3: {  	_ = 	snop  }
0x4: {  	_ = 	snop  }
0x5: {  	_ = 	snop  }
0x6: {  	_ = 	snop  }
0x7: {  	_ = 	snop  }
__scs_overlays_trampoline_lowered:
0x8: {  	[smem:$0x3FAC] =	sst s0  }
0x9: {  	[smem:$0x3FAD] =	sst s1  }
0xa: {  	[smem:$0x3FAE] =	sst s2  }
0xb: {  	[smem:$0x3FAF] =	sst s3  }
0xc: {  	[smem:$0x3FB0] =	sst s4  }
0xd: {  	[smem:$0x3FB1] =	sst s5  }
0xe: {  	[smem:$0x3FB2] =	sst s6  }
0xf: {  	[smem:$0x3FB3] =	sst s7  }
0x10: {  	[smem:$0x3FB4] =	sst s8  }
0x11: {  	[smem:$0x3FB5] =	sst s9;
	s0 =	simm.s32 @!p0 $0x0  }
0x12: {  	s1 =	sld [smem:$0x3F9B];
	s0 =	simm.s32 @p0 $0x1  }
0x13: {  	[smem:$0x3FB6] =	sst s0;
	s0 =	simm.s32 @!p1 $0x0  }
0x14: {  	s2 =	sld [smem:$0x3F9A];
	s0 =	simm.s32 @p1 $0x1  }
0x15: {  	[smem:$0x3FB7] =	sst s0;
	s0 =	simm.s32 @!p2 $0x0  }
0x16: {  	s3 =	sld [smem:$0x3FDB];
	s0 =	simm.s32 @p2 $0x1  }
0x17: {  	s4 =	simm.s32 $0x1BF5;
	[smem:$0x3FB9] =	sst s0  }
0x18: {  	s0 =	sld [smem:$0x3F9C];
	_ =	swait.ge [sflag:s4], $0x0  }
0x19: {  	s7 =	sld [smem:$0x3F9D]  }
0x1a: {  	s8 =	sadd.s32 $0xFFFFE003, lr  }
0x1b: {  	s9 =	sadd.s32 $0xFFFFFEF7, lr;
	s5 =	simm.s32 $0xFFFFFFFF;
	p2 =	slt.u32 s8, $0xFFFFF086  }
0x1c: {  	p1 =	slt.u32 s9, $0xF7A;
	s5 =	simm.s32 @!p2 $0x0  }
0x1d: {  	s5 =	simm.s32 @p1 $0x1;
	p0 =	seq.s32 s7, s2  }
0x1e: {  	s7 =	smul.u32 @!p0 $0xF7A, s2;
	p2 =	seq.s32 @!p0 s5, $0x0  }
0x1f: {  	s9 =	smul.u32 $0xF7A, s1;
	s8 =	simm.s32 @!p0 $0x1BF5;
	p2 =	por !p2, p0  }
0x20: {  	[sflag:s8] =	ssyncset.s32 @!p0 $0xFFFFF086;
	s6 =	sadd.s32 @!p0 s3, s7;
	s7 =	simm.s32 @!p0 $0x108  }
0x21: {  	s3 =	sadd.s32 s3, s9;
	s6 =	sadd.s32 @!p0 $0x88, s6;
	s7 =	simm.s32 @p2 $0x1082  }
0x22: {  	[simem:s7], [sflag:s8] =	dma.local @!p0 [hbm:s6], $0xF7A  }
0x23: {  	s9 =	sor.u32 $0xD0000000, s2;
	s6 =	simm.s32 $0x108;
	_ =	swait.ge @!p0 [sflag:s8], $0x0  }
0x24: {  	s3 =	sadd.s32 $0x88, s3;
	s6 =	simm.s32 @!p1 $0x1082;
	[sflag:s4] =	ssyncset.s32 $0xFFFFF086  }
0x25: {  	[simem:s6], [sflag:s4] =	dma.local [hbm:s3], $0xF7A  }
0x26: {  	[smem:$0x3F9D] =	sst s1;
	(tag) =	ssettag s2;
	_ =	strace s9  }
0x27: {  	s1 =	sld [smem:$0x3FAD]  }
0x28: {  	s2 =	sld [smem:$0x3FAE]  }
0x29: {  	s4 =	sld [smem:$0x3FB0]  }
0x2a: {  	p0 =	seq.s32 s5, $0x0;
	s5 =	sld [smem:$0x3FB1]  }
0x2b: {  	s6 =	sld [smem:$0x3FB2]  }
0x2c: {  	s7 =	sld [smem:$0x3FB3]  }
0x2d: {  	s3 =	simm.s32 $0x108;
	s8 =	sld [smem:$0x3FB4]  }
0x2e: {  	s3 =	simm.s32 @!p0 $0x1082;
	s9 =	sld [smem:$0x3FB5]  }
0x2f: {  	lr =	sadd.s32 s0, s3;
	s0 =	sld [smem:$0x3FAC]  }
0x30: {  	s3 =	sld [smem:$0x3FAF]  }
0x31: {  	[smem:$0x3FB8] =	sst s10  }
0x32: {  	s10 =	sld [smem:$0x3FB6];
	_ =	sdelay $0x3  }
0x33: {  	p0 =	seq.s32 s10, $0x1;
	s10 =	sld [smem:$0x3FB8];
	_ =	sdelay $0x3  }
0x34: {  	[smem:$0x3FB8] =	sst s10  }
0x35: {  	s10 =	sld [smem:$0x3FB7];
	_ =	sdelay $0x3  }
0x36: {  	p1 =	seq.s32 s10, $0x1;
	s10 =	sld [smem:$0x3FB8];
	_ =	sdelay $0x3  }
0x37: {  	[smem:$0x3FB8] =	sst s10  }
0x38: {  	s10 =	sld [smem:$0x3FB9]  }
0x39: {  	_ = 	snop;
	(pc) =	sbr.ind lr, $3  }
0x3a: {  	_ = 	snop  }
0x3b: {  	_ = 	snop  }
0x3c: {  	p2 =	seq.s32 s10, $0x1;
	s10 =	sld [smem:$0x3FB8]  }
0x3d: {  	_ =	shalt  }
0x3e: {  	_ =	shalt  }
0x3f: {  	_ =	shalt  }
0x40: {  	_ =	shalt  }
0x41: {  	_ =	shalt  }
0x42: {  	_ =	shalt  }
0x43: {  	_ =	shalt  }
0x44: {  	_ =	shalt  }
0x45: {  	_ =	shalt  }
0x46: {  	_ =	shalt  }
0x47: {  	_ =	shalt  }
0x48: {  	_ =	shalt  }
0x49: {  	_ =	shalt  }
0x4a: {  	_ =	shalt  }
0x4b: {  	_ =	shalt  }
0x4c: {  	_ =	shalt  }
0x4d: {  	_ =	shalt  }
0x4e: {  	_ =	shalt  }
0x4f: {  	_ =	shalt  }
0x50: {  	_ =	shalt  }
0x51: {  	_ =	shalt  }
0x52: {  	_ =	shalt  }
0x53: {  	_ =	shalt  }
0x54: {  	_ =	shalt  }
0x55: {  	_ =	shalt  }
0x56: {  	_ =	shalt  }
0x57: {  	_ =	shalt  }
0x58: {  	_ =	shalt  }
0x59: {  	_ =	shalt  }
0x5a: {  	_ =	shalt  }
0x5b: {  	_ =	shalt  }
0x5c: {  	_ =	shalt  }
0x5d: {  	_ =	shalt  }
0x5e: {  	_ =	shalt  }
0x5f: {  	_ =	shalt  }
0x60: {  	_ =	shalt  }
0x61: {  	_ =	shalt  }
0x62: {  	_ =	shalt  }
0x63: {  	_ =	shalt  }
0x64: {  	_ =	shalt  }
0x65: {  	_ =	shalt  }
0x66: {  	_ =	shalt  }
0x67: {  	_ =	shalt  }
0x68: {  	_ =	shalt  }
0x69: {  	_ =	shalt  }
0x6a: {  	_ =	shalt  }
0x6b: {  	_ =	shalt  }
0x6c: {  	_ =	shalt  }
0x6d: {  	_ =	shalt  }
0x6e: {  	_ =	shalt  }
0x6f: {  	_ =	shalt  }
0x70: {  	_ =	shalt  }
0x71: {  	_ =	shalt  }
0x72: {  	_ =	shalt  }
0x73: {  	_ =	shalt  }
0x74: {  	_ =	shalt  }
0x75: {  	_ =	shalt  }
0x76: {  	_ =	shalt  }
0x77: {  	_ =	shalt  }
0x78: {  	_ =	shalt  }
0x79: {  	_ =	shalt  }
0x7a: {  	_ =	shalt  }
0x7b: {  	_ =	shalt  }
0x7c: {  	_ =	shalt  }
0x7d: {  	_ =	shalt  }
0x7e: {  	_ =	shalt  }
0x7f: {  	_ =	shalt  }
0x80: {  	_ =	shalt  }
0x81: {  	_ =	shalt  }
0x82: {  	_ =	shalt  }
0x83: {  	_ =	shalt  }
0x84: {  	_ =	shalt  }
0x85: {  	_ =	shalt  }
0x86: {  	_ =	shalt  }
0x87: {  	_ =	shalt  }
.Lfunc_end0:
.L_simem_size_0:
called_computation_lowered:
.L_overlay_start_0:
0x88: {  	s2 =	sld [smem:$0x3FD9]  }
0x89: {  	s3 =	sld [smem:$0x3FFE];
	_ =	sdelay $0x1  }
0x8a: {  	s1 =	srdreg.scid  }
0x8b: {  	s0 =	sand.u32 $0x1, s1  }
0x8c: {  	s17 =	sshll.u32 s0, $0xA;
	s2 =	sadd.s32 s3, s2  }
0x8d: {  	s2 =	sadd.s32 s2, s17  }
0x8e: {  	[smem:$0x3FC4] =	sst s2  }
0x8f: {  	_ = 	snop  }
0x90: {  	s2 =	sld [smem:$0x3FC9]  }
0x91: {  	s18 =	sld [smem:$0x3FD0];
	(tm) =	ssettm $0x1  }
0x92: {  	s4 =	sld [smem:$0x3FFB];
	_ =	sdelay $0x3  }
0x93: {  	_ =	strace s4  }
0x94: {  	s4 =	sld [smem:$0x3FFC];
	_ =	sdelay $0x3  }
0x95: {  	_ =	strace s4  }
0x96: {  	s4 =	sld [smem:$0x3FFD];
	_ =	sdelay $0x3  }
0x97: {  	_ =	strace s4  }
0x98: {  	_ =	strace $0x8FFFFFFF  }
0x99: {  	s19 =	sld [smem:$0x3FDB];
	_ =	sdelay $0x1  }
0x9a: {  	s5 =	simm.s32 $_scs_section_size  }
0x9b: {  	s6 =	simm.s32 $_size__tile_overlayer_lowered;
	s7 =	simm.s32 $_tile_overlayer_lowered  }
0x9c: {  	s22 =	simm.s32 $0x1BFF;
	s21 =	sshll.u32 s7, $0x1;
	s4 =	sadd.s32 s5, s19  }
0x9d: {  	s8 =	simm.s32 $0x0;
	s20 =	sshll.u32 s6, $0x1;
	s6 =	sadd.s32 s21, s4  }
0x9e: {  	[timem:s8], [sflag:s22] =	dma.local [hbm:s6], s20  }
0x9f: {  	_ =	swait.ge [sflag:s22], s20  }
0xa0: {  	s5 =	ssub.s32 $0x0, s20;
	[sflag:s22] =	ssyncset.done $0x0  }
0xa1: {  	[sflag:s22] =	ssyncadd.s32 s5;
	_ =	sdelay $0x1  }
0xa2: {  	s23 =	simm.s32 $0x1B8B  }
0xa3: {  	_ =	swait.ge [sflag:s23], $0x1  }
0xa4: {  	[sflag:s23] =	ssyncset.done $0x0  }
0xa5: {  	s25 =	simm.s32 $0x1B8E;
	s24 =	sld [smem:$0x3FFE];
	[sflag:s23] =	ssyncadd.s32 $0xFFFFFFFF  }
0xa6: {  	s26 =	simm.s32 $execute0_lowered;
	[smem:$0x3FD2] =	sst s25  }
0xa7: {  	s6 =	sshll.u32 s26, $0x1;
	_ =	strace $0x80000046;
	[dreg:$0x1] =	wrdreg $0xFFFFFFFF  }
0xa8: {  	s28 =	simm.s32 $_size_execute0_lowered;
	s4 =	sadd.s32 s4, s6;
	[dreg:$0x0] =	wrdreg $0x0  }
0xa9: {  	s6 =	sshll.u32 s28, $0x1;
	[dreg:$0x2] =	wrdreg s4  }
0xaa: {  	[dreg:$0x3] =	wrdreg s6  }
0xab: {  	[dreg:$0x4] =	wrdreg $0xC0  }
0xac: {  	_ =	task [dreg:s8], $0x5FFFF  }
0xad: {  	[dreg:$0x1] =	wrdreg $0xFFFFFFFF  }
0xae: {  	[dreg:$0x0] =	wrdreg $0x60  }
0xaf: {  	[dreg:$0x2] =	wrdreg s2  }
0xb0: {  	[dreg:$0x3] =	wrdreg s24  }
0xb1: {  	[dreg:$0x4] =	wrdreg s18  }
0xb2: {  	[dreg:$0x5] =	wrdreg $0xC4900  }
0xb3: {  	[dreg:$0x6] =	wrdreg $0x9  }
0xb4: {  	_ =	task.clear_ibuf [dreg:s8], $0x7FFFF;
	_ =	strace $0x90000046  }
0xb5: {  	s29 =	simm.s32 $0x9;
	_ =	strace $0x80000048  }
0xb6: {  	_ =	swait.ge [sflag:s29], $0x1  }
0xb7: {  	[sflag:s29] =	ssyncadd.s32 $0xFFFFFFFF  }
0xb8: {  	_ =	strace $0x90000048  }
0xb9: {  	_ =	sfence  }
0xba: {  	s30 =	sld [smem:$0x0];
	_ =	sdelay $0x2  }
0xbb: {  	s31 =	sshll.u32 s1, $0xD;
	s1 =	sshrl.u32 s1, $0x2  }
0xbc: {  	s3 =	sand.u32 $0x4000, s31;
	s1 =	sadd.s32 s1, s30  }
0xbd: {  	s0 =	sor.u32 s3, s0;
	s1 =	sshll.u32 s1, $0x11  }
0xbe: {  	s0 =	sor.u32 s1, s0  }
0xbf: {  	s0 =	sadd.s32 $0x8F2B, s0  }
0xc0: {  	[sflag:s0] =	ssyncadd.remote.s32 $0x1  }
0xc1: {  	_ =	sfence.sel $0xFFFF  }
0xc2: {  	[dreg:$0x0] =	wrdreg $0xFFFFFFFF;
	(pc) =	sbr.abs _section_cstart, $3  }
0xc3: {  	[dreg:$0x1] =	wrdreg $0xFFFFFFFF  }
0xc4: {  	_ =	task.clear_ibuf [dreg:s8], $0x2FFFF;
	_ =	strace $0x9FFFFFFF  }
0xc5: {  	(tm) =	ssettm $0x7FFFFFFF  }
tec
execute0_lowered:
.L_overlay_start_1:
0x0: {  	(tag) =	ssettag $0x1  }
0x1: {  	s0 =	rddreg [dreg:$0x0]  }
0x2: {  	s5 =	rddreg [dreg:$0x1]  }
0x3: {  	s1 =	srdreg.scid;
	s10 =	rddreg [dreg:$0x2]  }
0x4: {  	s3 =	rddreg [dreg:$0x3];
	s4 =	simm.s32 $0x0;
	s18 =	simm.s32 $0x9C90  }
0x5: {  	s19 =	simm.s32 $0xB090;
	s20 =	simm.s32 $0x1;
	s21 =	simm.s32 $0x2  }
0x6: {  	s22 =	simm.s32 $0x0;
	s7 =	sand.u32 $0x1, s1;
	s1 =	stileid.u32  }
0x7: {  	[smem:$0x7FF] =	sst s4;
	s12 =	sadd.s32 $0x1DC00, s5;
	s8 =	smul.u32 $0x9C4, s1  }
0x8: {  	s15 =	sadd.s32 $0x94200, s3;
	s2 =	sshll.u32 s7, $0x4;
	s11 =	smul.u32 $0x13C00, s1  }
0x9: {  	s9 =	ssub.s32 $0x2, s7;
	s13 =	smul.u32 $0x27800, s1;
	s25 =	sshll.u32 s7, $0x6  }
0xa: {  	s30 =	sshll.u32 s7, $0x3;
	p0 =	seq.s32 s1, $0xF;
	s6 =	sor.u32 s1, s2  }
0xb: {  	s2 =	rddreg [dreg:$0x4];
	_ =	strace $0x80000047;
	s24 =	sshrl.u32 s9, $0x1  }
0xc: {  	s31 =	sadd.s32 s30, s12;
	s17 =	sshll.u32 @!p0 s1, $0x6;
	s6 =	smul.u32 $0x9CE, s6  }
0xd: {  	s8 =	sadd.s32 s8, s5;
	s14 =	ssub.s32 s9, s24;
	s28 =	sshrl.u32 s13, $0x2  }
0xe: {  	s26 =	sor.u32 s25, s11;
	s13 =	simm.s32 $0x4E70;
	s16 =	sadd.s32 s28, s3  }
0xf: {  	s29 =	sshrl.u32 s26, $0x3;
	s11 =	smax.u32 s14, $0x1;
	s14 =	sshrl.u32 @p0 s15, $0x3  }
0x10: {  	s15 =	sor.u32 @!p0 $0x1C03, s17;
	s17 =	simm.s32 $0x50;
	s6 =	sadd.s32 s6, s5  }
0x11: {  	s7 =	sadd.s32 s12, s29;
	s9 =	sadd.s32 s10, s29;
	s10 =	sadd.s32 s30, s10  }
0x12: {  	s12 =	simm.s32 $0x3;
	s16 =	sshrl.u32 @!p0 s16, $0x3;
	s5 =	sadd.s32 $0xA200, s6  }
0x13: {  	s6 =	sadd.s32 $0x400, s8;
	s8 =	sadd.s32 $0x25080, s31;
	s10 =	sadd.s32 $0x25080, s10  }
.LBB2_1:
0x14: {  	[tilespmem:s4], [sflag:$0x3] =	stream.linear.gather [hbm4b:s5+s4], $0x4E70, $0x38;
	[tilespmem:$0x16290] =	vst v63  }
0x15: {  	_ =	swait.ge [sflag:s12], $0x4E70  }
0x16: {  	[sflag:s12] =	ssyncset.done $0x0  }
0x17: {  	[sflag:s12] =	ssyncadd.s32 $0xFFFFB190  }
0x18: {  	[tilespmem:s13], [sflag:$0x3] =	stream.linear.gather [hbm4b:s6+s4], $0x4E20, $0x38;
	[tilespmem:$0x16290] =	vst v63  }
0x19: {  	_ =	swait.ge [sflag:s12], $0x4E20  }
0x1a: {  	s23 =	simm.s32 @p0 $0x1;
	s24 =	simm.s32 @p0 $0x8;
	[sflag:s12] =	ssyncset.done $0x0  }
0x1b: {  	s25 =	simm.s32 @p0 $0x10;
	s26 =	simm.s32 @p0 $0x1FC3;
	[sflag:s12] =	ssyncadd.s32 $0xFFFFB1E0  }
0x1c: {  	[spmem:s14@s24], [sflag:s26] =	dma.strided @p0 [hbm:s8@s25], $0x1040, s23, $0x8   }
0x1d: {  	s23 =	simm.s32 @p0 $0x3  }
0x1e: {  	_ =	swait.ge @p0 [sflag:s23], $0x1040  }
0x1f: {  	s24 =	simm.s32 @!p0 $0x8;
	[sflag:s23] =	ssyncset.done @p0 $0x0  }
0x20: {  	s25 =	simm.s32 @!p0 $0x10;
	[sflag:s23] =	ssyncadd.s32 @p0 $0xFFFFEFC0;
	s23 =	simm.s32 @!p0 $0x1  }
0x21: {  	[spmem:s16@s24], [sflag:s15] =	dma.strided @!p0 [hbm:s7@s25], $0x13C0, s23, $0x8   }
0x22: {  	s23 =	simm.s32 @!p0 $0x3  }
0x23: {  	_ =	swait.ge @!p0 [sflag:s23], $0x13C0  }
0x24: {  	[sflag:s23] =	ssyncset.done @!p0 $0x0  }
0x25: {  	[sflag:s23] =	ssyncadd.s32 @!p0 $0xFFFFEC40  }
0x26: {  	[bflag:$0x0] =	sbarrier.arrive $0xFFFF  }
0x27: {  	[tilespmem:s18], [sflag:$0x1] =	stream.indirect.gather [hbm4b:s0+s17], $0x40, s4, s17, $0xb8;
	[tilespmem:$0x16290] =	vst v63  }
0x28: {  	s28 =	simm.s32 $0x50  }
0x29: {  	[tilespmem:s19], [sflag:$0x2] =	stream.indirect.gather [hbm4b:s0+s17], $0x40, s28, s17, $0xb8;
	[tilespmem:$0x16290] =	vst v63  }
0x2a: {  	_ =	swait.ge [sflag:s20], $0x1400  }
0x2b: {  	[sflag:s20] =	ssyncset.done $0x0  }
0x2c: {  	s29 =	simm.s32 $0x4E70;
	[sflag:s20] =	ssyncadd.s32 $0xFFFFEC00  }
0x2d: {  	[spmem:s3] =	stream.indirect.scatter.add.f32 [tilespmem:s18], [sflag:$0x3], $0x40, s29, s17, $0xb8;
	[tilespmem:$0x16290] =	vst v63  }
0x2e: {  	_ =	swait.ge [sflag:s12], $0x1400  }
0x2f: {  	[sflag:s12] =	ssyncset.done $0x0  }
0x30: {  	s30 =	simm.s32 $0xA0;
	[sflag:s12] =	ssyncadd.s32 $0xFFFFEC00  }
0x31: {  	[tilespmem:s18], [sflag:$0x1] =	stream.indirect.gather [hbm4b:s0+s17], $0x40, s30, s17, $0xb8;
	[tilespmem:$0x16290] =	vst v63  }
0x32: {  	_ =	swait.ge [sflag:s21], $0x1400  }
0x33: {  	[sflag:s21] =	ssyncset.done $0x0  }
0x34: {  	s31 =	simm.s32 $0x4EC0;
	[sflag:s21] =	ssyncadd.s32 $0xFFFFEC00  }
0x35: {  	[spmem:s3] =	stream.indirect.scatter.add.f32 [tilespmem:s19], [sflag:$0x3], $0x40, s31, s17, $0xb8;
	[tilespmem:$0x16290] =	vst v63  }
0x36: {  	_ =	swait.ge [sflag:s12], $0x1400  }
0x37: {  	s24 =	simm.s32 $0x500;
	s23 =	simm.s32 $0xA0;
	[sflag:s12] =	ssyncset.done $0x0  }
.LBB2_2:
0x38: {  	s25 =	sadd.s32 $0x50, s23  }
0x39: {  	[sflag:s12] =	ssyncadd.s32 $0xFFFFEC00;
	s26 =	smov.u32 s24;
	s28 =	sadd.s32 $0x280, s24  }
0x3a: {  	[tilespmem:s19], [sflag:$0x2] =	stream.indirect.gather [hbm4b:s0+s17], $0x40, s25, s17, $0xb8;
	[tilespmem:$0x16290] =	vst v63  }
0x3b: {  	p1 =	sne.s32 s24, $0x13600;
	_ =	swait.ge [sflag:s20], $0x1400  }
0x3c: {  	[sflag:s20] =	ssyncset.done $0x0  }
0x3d: {  	s24 =	sadd.s32 $0x4E70, s23;
	[sflag:s20] =	ssyncadd.s32 $0xFFFFEC00  }
0x3e: {  	[spmem:s3] =	stream.indirect.scatter.add.f32 [tilespmem:s18], [sflag:$0x3], $0x40, s24, s17, $0xb8;
	[tilespmem:$0x16290] =	vst v63  }
0x3f: {  	_ =	swait.ge [sflag:s12], $0x1400  }
0x40: {  	[sflag:s12] =	ssyncset.done $0x0  }
0x41: {  	s24 =	sadd.s32 $0xA0, s23;
	[sflag:s12] =	ssyncadd.s32 $0xFFFFEC00  }
0x42: {  	[tilespmem:s18], [sflag:$0x1] =	stream.indirect.gather [hbm4b:s0+s17], $0x40, s24, s17, $0xb8;
	[tilespmem:$0x16290] =	vst v63  }
0x43: {  	_ =	swait.ge [sflag:s21], $0x1400  }
.Ltmp0:
0x44: {  	[sflag:s21] =	ssyncset.done $0x0;
	(pc) =	sbr.rel @p1 .LBB2_2-.Ltmp0, $4  }
0x45: {  	s23 =	sadd.s32 $0x4EC0, s23;
	[sflag:s21] =	ssyncadd.s32 $0xFFFFEC00  }
0x46: {  	[spmem:s3] =	stream.indirect.scatter.add.f32 [tilespmem:s19], [sflag:$0x3], $0x40, s23, s17, $0xb8;
	[tilespmem:$0x16290] =	vst v63  }
0x47: {  	_ =	swait.ge [sflag:s12], $0x1400  }
0x48: {  	s24 =	smov.u32 s28;
	s23 =	sshra.s32 s26, $0x2;
	[sflag:s12] =	ssyncset.done $0x0  }
0x49: {  	s24 =	sadd.s32 $0x50, s23;
	[sflag:s12] =	ssyncadd.s32 $0xFFFFEC00  }
0x4a: {  	[tilespmem:s19], [sflag:$0x2] =	stream.indirect.gather [hbm4b:s0+s17], $0x40, s24, s17, $0xb8;
	[tilespmem:$0x16290] =	vst v63  }
0x4b: {  	_ =	swait.ge [sflag:s20], $0x1400  }
0x4c: {  	[sflag:s20] =	ssyncset.done $0x0  }
0x4d: {  	s29 =	sadd.s32 $0x4E70, s23;
	[sflag:s20] =	ssyncadd.s32 $0xFFFFEC00  }
0x4e: {  	[spmem:s3] =	stream.indirect.scatter.add.f32 [tilespmem:s18], [sflag:$0x3], $0x40, s29, s17, $0xb8;
	[tilespmem:$0x16290] =	vst v63  }
0x4f: {  	_ =	swait.ge [sflag:s12], $0x1400  }
0x50: {  	[sflag:s12] =	ssyncset.done $0x0  }
0x51: {  	s30 =	sadd.s32 $0xA0, s23;
	[sflag:s12] =	ssyncadd.s32 $0xFFFFEC00  }
0x52: {  	[tilespmem:s18], [sflag:$0x1] =	stream.indirect.gather [hbm4b:s0+s17], $0x40, s30, s17, $0xb8;
	[tilespmem:$0x16290] =	vst v63  }
0x53: {  	_ =	swait.ge [sflag:s21], $0x1400  }
0x54: {  	[sflag:s21] =	ssyncset.done $0x0  }
0x55: {  	s31 =	sadd.s32 $0x4EC0, s23;
	[sflag:s21] =	ssyncadd.s32 $0xFFFFEC00  }
0x56: {  	[spmem:s3] =	stream.indirect.scatter.add.f32 [tilespmem:s19], [sflag:$0x3], $0x40, s31, s17, $0xb8;
	[tilespmem:$0x16290] =	vst v63  }
0x57: {  	_ =	swait.ge [sflag:s12], $0x1400  }
0x58: {  	[sflag:s12] =	ssyncset.done $0x0  }
0x59: {  	[sflag:s12] =	ssyncadd.s32 $0xFFFFEC00  }
0x5a: {  	_ =	swait.ge [sflag:s20], $0x1400  }
0x5b: {  	[sflag:s20] =	ssyncset.done $0x0  }
0x5c: {  	s23 =	simm.s32 @p0 $0x1;
	s25 =	simm.s32 @p0 $0x8;
	[sflag:s20] =	ssyncadd.s32 $0xFFFFEC00  }
0x5d: {  	s26 =	simm.s32 @p0 $0x1FC3;
	s24 =	simm.s32 @p0 $0x10;
	[bflag:$0x0] =	sbarrier.arrive $0xFFFF  }
0x5e: {  	[hbm:s10@s24], [sflag:s26] =	dma.strided @p0 [spmem:s14@s25], $0x1040, s23, $0x8   }
0x5f: {  	s23 =	simm.s32 @p0 $0x3  }
0x60: {  	s22 =	sadd.s32 $0x1, s22;
	_ =	swait.ge @p0 [sflag:s23], $0x1040  }
0x61: {  	p1 =	sne.s32 s22, s11;
	s24 =	simm.s32 @!p0 $0x10;
	[sflag:s23] =	ssyncset.done @p0 $0x0  }
0x62: {  	s25 =	simm.s32 @!p0 $0x8;
	[sflag:s23] =	ssyncadd.s32 @p0 $0xFFFFEFC0;
	s23 =	simm.s32 @!p0 $0x1  }
0x63: {  	[hbm:s9@s24], [sflag:s15] =	dma.strided @!p0 [spmem:s16@s25], $0x13C0, s23, $0x8   }
.Ltmp1:
0x64: {  	_ = 	snop;
	(pc) =	sbr.rel @p1 .LBB2_1-.Ltmp1, $4  }
0x65: {  	s23 =	simm.s32 @!p0 $0x3  }
0x66: {  	_ =	swait.ge @!p0 [sflag:s23], $0x13C0  }
0x67: {  	[sflag:s23] =	ssyncset.done @!p0 $0x0  }
0x68: {  	[sflag:s23] =	ssyncadd.s32 @!p0 $0xFFFFEC40  }
0x69: {  	_ =	sfence.sel $0x180000  }
0x6a: {  	[bflag:$0x0] =	sbarrier.arrive $0xFFFF  }
0x6b: {  	p0 =	sne.s32 s1, $0x0;
	_ =	strace $0x90000047  }
0x6c: {  	s0 =	sadd.s32 @!p0 $0x100000, s2;
	[bflag:$0x2] =	sbarrier.arrive $0xFFFF  }
0x6d: {  	[sflag:s0] =	ssyncadd.tile.s32 @!p0 $0x1;
	_ =	shalt  }
.Lfunc_end2:
_tile_overlayer_lowered:
.L_overlay_start_2:
0x6e: {  	(tag) =	ssettag $0x2  }
0x6f: {  	s0 =	rddreg [dreg:$0x0];
	s2 =	stileid.u32  }
0x70: {  	s1 =	rddreg [dreg:$0x1];
	p0 =	sne.s32 s2, $0x0  }
0x71: {  	s3 =	rddreg [dreg:$0x2];
	[bflag:$0x3] =	sbarrier.arrive $0xFFFF;
	s2 =	simm.s32 @!p0 $0x1C03  }
0x72: {  	[timem:s3], [sflag:s2] =	dma.local @!p0 [hbm:s0], s1  }
0x73: {  	s0 =	simm.s32 @!p0 $0x3  }
0x74: {  	_ =	swait.ge @!p0 [sflag:s0], s1  }
0x75: {  	s1 =	ssub.s32 @!p0 $0x0, s1;
	[sflag:s0] =	ssyncset.done @!p0 $0x0  }
0x76: {  	[sflag:s0] =	ssyncadd.s32 @!p0 s1  }
0x77: {  	[bflag:$0x3] =	sbarrier.arrive $0xFFFF  }
0x78: {  	_ =	shalt  }

</sc_bundles>
